<compile_context>
chip_gen: v7x
topology: tpu7x:2x2x1
jax: 0.10.2.dev20260603
libtpu: 0.0.44.dev20260713+nightly
codegen_flags: <defaults>
</compile_context>

<pallas_src>
import functools

import jax
import jax.numpy as jnp
from jax import lax
from jax.experimental import pallas as pl
from jax.experimental.pallas import tpu as pltpu
from jax.experimental.pallas import tpu_sc as plsc

NW = 32


def _onerec_sc(F, B, V, D, CHUNK):
    mesh = plsc.VectorSubcoreMesh(core_axis_name="c", subcore_axis_name="s")
    NJ = CHUNK // 16

    @functools.partial(
        pl.kernel,
        mesh=mesh,
        out_type=jax.ShapeDtypeStruct((NW, CHUNK), jnp.float32),
        scratch_types=[
            pltpu.VMEM((F * CHUNK,), jnp.int32),
            pltpu.VMEM((F * CHUNK,), jnp.float32),
            pltpu.VMEM((D * CHUNK,), jnp.float32),
            pltpu.VMEM((D * 16,), jnp.float32),
            pltpu.VMEM((CHUNK,), jnp.float32),
            pltpu.SemaphoreType.DMA,
        ],
    )
    def k(table_hbm, idx_hbm, dense_hbm, w_hbm, out_hbm,
          idx_v, vals_v, dense_v, w_v, out_v, sem):
        wid = lax.axis_index("s") * 2 + lax.axis_index("c")
        pltpu.sync_copy(idx_hbm.at[wid], idx_v)
        pltpu.sync_copy(dense_hbm.at[wid], dense_v)
        pltpu.sync_copy(w_hbm, w_v)
        pltpu.async_copy(table_hbm.at[idx_v], vals_v, sem).wait()

        def jbody(j, _):
            acc = jnp.zeros((16,), jnp.float32)

            def fbody(f, a):
                return a + vals_v[pl.ds(f * CHUNK + j * 16, 16)]

            acc = lax.fori_loop(0, F, fbody, acc)

            def dbody(d, a):
                return a + (dense_v[pl.ds(d * CHUNK + j * 16, 16)]
                            * w_v[pl.ds(d * 16, 16)])

            acc = lax.fori_loop(0, D, dbody, acc)
            out_v[pl.ds(j * 16, 16)] = acc
            return 0

        lax.fori_loop(0, NJ, jbody, 0)
        pltpu.sync_copy(out_v, out_hbm.at[wid])

    return k


def kernel(sparse_inputs, dense_inputs, emb_tables, dense_weights):
    F, B, _ = sparse_inputs.shape
    D = dense_inputs.shape[0]
    V = emb_tables.shape[1]
    CHUNK = B // NW

    idx = sparse_inputs.reshape(F, B).astype(jnp.int32)
    idx = idx + (jnp.arange(F, dtype=jnp.int32) * V)[:, None]
    idx = idx.reshape(F, NW, CHUNK).transpose(1, 0, 2).reshape(NW, F * CHUNK)

    dense = dense_inputs.reshape(D, NW, CHUNK).transpose(1, 0, 2)
    dense = dense.reshape(NW, D * CHUNK)

    table = emb_tables.reshape(F * V)
    wrep = jnp.repeat(dense_weights.reshape(D), 16)

    out = _onerec_sc(F, B, V, D, CHUNK)(table, idx, dense, wrep)
    return out.reshape(B, 1)

# --- scband reference (transcript-rebuilt; emitter-appended) ---
"""Pipeline reference for scband-one-order-29394756174213 (READ-ONLY COPY).

The authoritative reference and input builder live on the scoring server;
editing this copy changes nothing except your own understanding.
"""

import jax, jax.numpy as jnp
import numpy as np

B = 16384
F = 26
V = 100000
D = 13

def setup_inputs(seed: int = 0) -> dict:
    key = jax.random.key(seed)
    k1, k2, k3, k4 = jax.random.split(key, 4)
    sparse_inputs = jax.random.randint(k1, (F, B, 1), 0, V, dtype=jnp.int64 if jax.config.jax_enable_x64 else jnp.int32)
    dense_inputs = jax.random.normal(k2, (D, B, 1), dtype=jnp.float32)
    # One Embedding(vocab, 1) table per sparse field, stacked: [F, V, 1]
    emb_tables = jax.random.normal(k3, (F, V, 1), dtype=jnp.float32) * 0.01
    # dense_weights: [n_dense, 1] (glorot-style small init)
    dense_weights = jax.random.normal(k4, (D, 1), dtype=jnp.float32) * 0.05
    return {"sparse_inputs": sparse_inputs, "dense_inputs": dense_inputs,
            "emb_tables": emb_tables, "dense_weights": dense_weights}

def reference(sparse_inputs, dense_inputs, emb_tables, dense_weights):
    # output = sum_f Embedding(vocab_f, 1)(sparse_input_f)[:, 0, :]
    output = jnp.zeros((sparse_inputs.shape[1], 1), dtype=jnp.float32)
    for f in range(sparse_inputs.shape[0]):
        idx = sparse_inputs[f, :, 0]               # [B]
        emb = jnp.take(emb_tables[f], idx, axis=0)  # [B, 1]
        output = output + emb
    # dense_inputs = K.concatenate(dense_inputs) -> [B, n_dense]
    dense_cat = jnp.concatenate([dense_inputs[d] for d in range(dense_inputs.shape[0])], axis=-1)
    tmp = jnp.dot(dense_cat, dense_weights)        # [B, 1]
    output = output + tmp
    return output

if __name__ == "__main__":
    import jax
    _d = setup_inputs()
    print(jax.jit(kernel)(*tuple(_d.values())))

</pallas_src>

<mosaic_0001>
#map = affine_map<(d0, d1) -> (0)>
#map1 = affine_map<(d0, d1) -> (0, 0)>
module attributes {stable_mosaic.version = 14 : i64} {
  func.func @k(%arg0: i32, %arg1: i32, %arg2: memref<2600000xf32, #tpu.memory_space<hbm>>, %arg3: memref<32x13312xi32, #tpu.memory_space<hbm>>, %arg4: memref<32x6656xf32, #tpu.memory_space<hbm>>, %arg5: memref<208xf32, #tpu.memory_space<hbm>>, %arg6: memref<32x512xf32, #tpu.memory_space<hbm>>, %arg7: memref<13312xi32, #tpu.memory_space<vmem>>, %arg8: memref<13312xf32, #tpu.memory_space<vmem>>, %arg9: memref<6656xf32, #tpu.memory_space<vmem>>, %arg10: memref<208xf32, #tpu.memory_space<vmem>>, %arg11: memref<512xf32, #tpu.memory_space<vmem>>, %arg12: memref<!tpu.dma_semaphore, #tpu.memory_space<semaphore_mem>>) attributes {dimension_semantics = [#tpu.dimension_semantics<core_parallel>, #tpu.dimension_semantics<subcore_parallel>], iteration_bounds = array<i64: 2, 16>, scalar_prefetch = 0 : i64, scratch_operands = 6 : i64, tpu.core_type = #tpu.core_type<sc_vector_subcore>, window_params = [{transform_indices = #map}, {transform_indices = #map1}, {transform_indices = #map1}, {transform_indices = #map}, {transform_indices = #map1}]} {
    %mul3A = arith.constant 2 : i32
    %mul3A_0 = arith.muli %arg1, %mul3A : i32
    %add3A = arith.addi %mul3A_0, %arg0 : i32
    "tpu.region"() ({
      %run_scoped3A = tpu.sem_alloc : memref<!tpu.dma_semaphore, #tpu.memory_space<semaphore_mem>>
      %dma_start3A_9 = arith.constant 0 : i32
      %dma_start3A_10 = tpu.memref_slice %arg3[%add3A, %dma_start3A_9] : memref<32x13312xi32, #tpu.memory_space<hbm>> -> memref<1x13312xi32, #tpu.memory_space<hbm>>
      %dma_start3A_11 = tpu.memref_squeeze %dma_start3A_10 : memref<1x13312xi32, #tpu.memory_space<hbm>> -> memref<13312xi32, #tpu.memory_space<hbm>>
      %dma_start3A_12 = arith.constant 0 : i32
      %dma_start3A_13 = tpu.memref_slice %arg3[%add3A, %dma_start3A_12] : memref<32x13312xi32, #tpu.memory_space<hbm>> -> memref<1x13312xi32, #tpu.memory_space<hbm>>
      %dma_start3A_14 = tpu.memref_squeeze %dma_start3A_13 : memref<1x13312xi32, #tpu.memory_space<hbm>> -> memref<13312xi32, #tpu.memory_space<hbm>>
      tpu.enqueue_dma source(%dma_start3A_14 : memref<13312xi32, #tpu.memory_space<hbm>>) target(%arg7 : memref<13312xi32, #tpu.memory_space<vmem>>) target_semaphore(%run_scoped3A : memref<!tpu.dma_semaphore, #tpu.memory_space<semaphore_mem>>)
      %dma_wait3A_15 = arith.constant 0 : i32
      %dma_wait3A_16 = tpu.memref_slice %arg3[%add3A, %dma_wait3A_15] : memref<32x13312xi32, #tpu.memory_space<hbm>> -> memref<1x13312xi32, #tpu.memory_space<hbm>>
      %dma_wait3A_17 = tpu.memref_squeeze %dma_wait3A_16 : memref<1x13312xi32, #tpu.memory_space<hbm>> -> memref<13312xi32, #tpu.memory_space<hbm>>
      %dma_wait3A_18 = arith.constant 0 : i32
      %dma_wait3A_19 = tpu.memref_slice %arg3[%add3A, %dma_wait3A_18] : memref<32x13312xi32, #tpu.memory_space<hbm>> -> memref<1x13312xi32, #tpu.memory_space<hbm>>
      %dma_wait3A_20 = tpu.memref_squeeze %dma_wait3A_19 : memref<1x13312xi32, #tpu.memory_space<hbm>> -> memref<13312xi32, #tpu.memory_space<hbm>>
      tpu.wait_dma2 semaphore(%run_scoped3A : memref<!tpu.dma_semaphore, #tpu.memory_space<semaphore_mem>>) src(%dma_wait3A_20 : memref<13312xi32, #tpu.memory_space<hbm>>) dst(%arg7 : memref<13312xi32, #tpu.memory_space<vmem>>)
      tpu.yield
    }) : () -> ()
    "tpu.region"() ({
      %run_scoped3A = tpu.sem_alloc : memref<!tpu.dma_semaphore, #tpu.memory_space<semaphore_mem>>
      %dma_start3A_9 = arith.constant 0 : i32
      %dma_start3A_10 = tpu.memref_slice %arg4[%add3A, %dma_start3A_9] : memref<32x6656xf32, #tpu.memory_space<hbm>> -> memref<1x6656xf32, #tpu.memory_space<hbm>>
      %dma_start3A_11 = tpu.memref_squeeze %dma_start3A_10 : memref<1x6656xf32, #tpu.memory_space<hbm>> -> memref<6656xf32, #tpu.memory_space<hbm>>
      %dma_start3A_12 = arith.constant 0 : i32
      %dma_start3A_13 = tpu.memref_slice %arg4[%add3A, %dma_start3A_12] : memref<32x6656xf32, #tpu.memory_space<hbm>> -> memref<1x6656xf32, #tpu.memory_space<hbm>>
      %dma_start3A_14 = tpu.memref_squeeze %dma_start3A_13 : memref<1x6656xf32, #tpu.memory_space<hbm>> -> memref<6656xf32, #tpu.memory_space<hbm>>
      tpu.enqueue_dma source(%dma_start3A_14 : memref<6656xf32, #tpu.memory_space<hbm>>) target(%arg9 : memref<6656xf32, #tpu.memory_space<vmem>>) target_semaphore(%run_scoped3A : memref<!tpu.dma_semaphore, #tpu.memory_space<semaphore_mem>>)
      %dma_wait3A_15 = arith.constant 0 : i32
      %dma_wait3A_16 = tpu.memref_slice %arg4[%add3A, %dma_wait3A_15] : memref<32x6656xf32, #tpu.memory_space<hbm>> -> memref<1x6656xf32, #tpu.memory_space<hbm>>
      %dma_wait3A_17 = tpu.memref_squeeze %dma_wait3A_16 : memref<1x6656xf32, #tpu.memory_space<hbm>> -> memref<6656xf32, #tpu.memory_space<hbm>>
      %dma_wait3A_18 = arith.constant 0 : i32
      %dma_wait3A_19 = tpu.memref_slice %arg4[%add3A, %dma_wait3A_18] : memref<32x6656xf32, #tpu.memory_space<hbm>> -> memref<1x6656xf32, #tpu.memory_space<hbm>>
      %dma_wait3A_20 = tpu.memref_squeeze %dma_wait3A_19 : memref<1x6656xf32, #tpu.memory_space<hbm>> -> memref<6656xf32, #tpu.memory_space<hbm>>
      tpu.wait_dma2 semaphore(%run_scoped3A : memref<!tpu.dma_semaphore, #tpu.memory_space<semaphore_mem>>) src(%dma_wait3A_20 : memref<6656xf32, #tpu.memory_space<hbm>>) dst(%arg9 : memref<6656xf32, #tpu.memory_space<vmem>>)
      tpu.yield
    }) : () -> ()
    "tpu.region"() ({
      %run_scoped3A = tpu.sem_alloc : memref<!tpu.dma_semaphore, #tpu.memory_space<semaphore_mem>>
      tpu.enqueue_dma source(%arg5 : memref<208xf32, #tpu.memory_space<hbm>>) target(%arg10 : memref<208xf32, #tpu.memory_space<vmem>>) target_semaphore(%run_scoped3A : memref<!tpu.dma_semaphore, #tpu.memory_space<semaphore_mem>>)
      tpu.wait_dma2 semaphore(%run_scoped3A : memref<!tpu.dma_semaphore, #tpu.memory_space<semaphore_mem>>) src(%arg5 : memref<208xf32, #tpu.memory_space<hbm>>) dst(%arg10 : memref<208xf32, #tpu.memory_space<vmem>>)
      tpu.yield
    }) : () -> ()
    %dma_start3A = arith.constant 0 : i32
    %dma_start3A_1 = tpu.memref_slice %arg2[%dma_start3A] : memref<2600000xf32, #tpu.memory_space<hbm>> -> memref<2600000xf32, #tpu.memory_space<hbm>>
    tpu.enqueue_indirect_dma source(%dma_start3A_1 : memref<2600000xf32, #tpu.memory_space<hbm>>) target(%arg8 : memref<13312xf32, #tpu.memory_space<vmem>>) offsets(%arg7 : memref<13312xi32, #tpu.memory_space<vmem>>) semaphore(%arg12 : memref<!tpu.dma_semaphore, #tpu.memory_space<semaphore_mem>>)
    %dma_wait3A = arith.constant 0 : i32
    %dma_wait3A_2 = tpu.memref_slice %arg2[%dma_wait3A] : memref<2600000xf32, #tpu.memory_space<hbm>> -> memref<2600000xf32, #tpu.memory_space<hbm>>
    tpu.wait_indirect_dma semaphore(%arg12 : memref<!tpu.dma_semaphore, #tpu.memory_space<semaphore_mem>>) src(%dma_wait3A_2 : memref<2600000xf32, #tpu.memory_space<hbm>>) dst(%arg8 : memref<13312xf32, #tpu.memory_space<vmem>>)
    %scan3A = arith.constant 0 : i32
    %scan3A_3 = arith.constant 0 : i32
    %scan3A_4 = arith.constant 32 : i32
    %scan3A_5 = arith.addi %scan3A_3, %scan3A_4 : i32
    %scan3A_6 = arith.constant 1 : i32
    %scan3A_7 = scf.for %scan3A_9 = %scan3A_3 to %scan3A_5 step %scan3A_6 iter_args(%scan3A_10 = %scan3A) -> (i32)  : i32 {
      %broadcast_in_dim3A = arith.constant 0.000000e+00 : f32
      %broadcast_in_dim3A_11 = vector.broadcast %broadcast_in_dim3A : f32 to vector<16xf32>
      %scan3A_12 = arith.constant 0 : i32
      %scan3A_13 = arith.constant 26 : i32
      %scan3A_14 = arith.addi %scan3A_12, %scan3A_13 : i32
      %scan3A_15 = arith.constant 1 : i32
      %scan3A_16 = scf.for %scan3A_30 = %scan3A_12 to %scan3A_14 step %scan3A_15 iter_args(%scan3A_31 = %broadcast_in_dim3A_11) -> (vector<16xf32>)  : i32 {
        %mul3A_32 = arith.constant 512 : i32
        %mul3A_33 = arith.muli %scan3A_30, %mul3A_32 : i32
        %mul3A_34 = arith.constant 16 : i32
        %mul3A_35 = arith.muli %scan3A_9, %mul3A_34 : i32
        %add3A_36 = arith.addi %mul3A_33, %mul3A_35 : i32
        %get3A = arith.index_cast %add3A_36 : i32 to index
        %get3A_37 = tpu.vector_load %arg8[%get3A] {strides = array<i32>} : memref<13312xf32, #tpu.memory_space<vmem>>, vector<16xf32>,
        %get3A_38 = vector.shape_cast %get3A_37 : vector<16xf32> to vector<16xf32>
        %add3A_39 = arith.addf %scan3A_31, %get3A_38 : vector<16xf32>
        scf.yield %add3A_39 : vector<16xf32>
      }
      %scan3A_17 = arith.constant 26 : i32
      %scan3A_18 = arith.constant 0 : i32
      %scan3A_19 = arith.constant 13 : i32
      %scan3A_20 = arith.addi %scan3A_18, %scan3A_19 : i32
      %scan3A_21 = arith.constant 1 : i32
      %scan3A_22 = scf.for %scan3A_30 = %scan3A_18 to %scan3A_20 step %scan3A_21 iter_args(%scan3A_31 = %scan3A_16) -> (vector<16xf32>)  : i32 {
        %mul3A_32 = arith.constant 512 : i32
        %mul3A_33 = arith.muli %scan3A_30, %mul3A_32 : i32
        %mul3A_34 = arith.constant 16 : i32
        %mul3A_35 = arith.muli %scan3A_9, %mul3A_34 : i32
        %add3A_36 = arith.addi %mul3A_33, %mul3A_35 : i32
        %get3A = arith.index_cast %add3A_36 : i32 to index
        %get3A_37 = tpu.vector_load %arg9[%get3A] {strides = array<i32>} : memref<6656xf32, #tpu.memory_space<vmem>>, vector<16xf32>,
        %get3A_38 = vector.shape_cast %get3A_37 : vector<16xf32> to vector<16xf32>
        %mul3A_39 = arith.constant 16 : i32
        %mul3A_40 = arith.muli %scan3A_30, %mul3A_39 : i32
        %get3A_41 = arith.index_cast %mul3A_40 : i32 to index
        %get3A_42 = tpu.vector_load %arg10[%get3A_41] {strides = array<i32>} : memref<208xf32, #tpu.memory_space<vmem>>, vector<16xf32>,
        %get3A_43 = vector.shape_cast %get3A_42 : vector<16xf32> to vector<16xf32>
        %mul3A_44 = arith.mulf %get3A_38, %get3A_43 : vector<16xf32>
        %add3A_45 = arith.addf %scan3A_31, %mul3A_44 : vector<16xf32>
        scf.yield %add3A_45 : vector<16xf32>
      }
      %scan3A_23 = arith.constant 13 : i32
      %mul3A_24 = arith.constant 16 : i32
      %mul3A_25 = arith.muli %scan3A_9, %mul3A_24 : i32
      %swap3A = arith.index_cast %mul3A_25 : i32 to index
      %swap3A_26 = tpu.vector_load %arg11[%swap3A] {strides = array<i32>} : memref<512xf32, #tpu.memory_space<vmem>>, vector<16xf32>,
      %swap3A_27 = vector.shape_cast %swap3A_26 : vector<16xf32> to vector<16xf32>
      %swap3A_28 = vector.shape_cast %scan3A_22 : vector<16xf32> to vector<16xf32>
      tpu.vector_store %arg11[%swap3A], %swap3A_28 {strides = array<i32>} : memref<512xf32, #tpu.memory_space<vmem>>, vector<16xf32>,
      %scan3A_29 = arith.constant 0 : i32
      scf.yield %scan3A_29 : i32
    }
    %scan3A_8 = arith.constant 32 : i32
    "tpu.region"() ({
      %run_scoped3A = tpu.sem_alloc : memref<!tpu.dma_semaphore, #tpu.memory_space<semaphore_mem>>
      %dma_start3A_9 = arith.constant 0 : i32
      %dma_start3A_10 = tpu.memref_slice %arg6[%add3A, %dma_start3A_9] : memref<32x512xf32, #tpu.memory_space<hbm>> -> memref<1x512xf32, #tpu.memory_space<hbm>>
      %dma_start3A_11 = tpu.memref_squeeze %dma_start3A_10 : memref<1x512xf32, #tpu.memory_space<hbm>> -> memref<512xf32, #tpu.memory_space<hbm>>
      %dma_start3A_12 = arith.constant 0 : i32
      %dma_start3A_13 = tpu.memref_slice %arg6[%add3A, %dma_start3A_12] : memref<32x512xf32, #tpu.memory_space<hbm>> -> memref<1x512xf32, #tpu.memory_space<hbm>>
      %dma_start3A_14 = tpu.memref_squeeze %dma_start3A_13 : memref<1x512xf32, #tpu.memory_space<hbm>> -> memref<512xf32, #tpu.memory_space<hbm>>
      tpu.enqueue_dma source(%arg11 : memref<512xf32, #tpu.memory_space<vmem>>) target(%dma_start3A_14 : memref<512xf32, #tpu.memory_space<hbm>>) target_semaphore(%run_scoped3A : memref<!tpu.dma_semaphore, #tpu.memory_space<semaphore_mem>>)
      %dma_wait3A_15 = arith.constant 0 : i32
      %dma_wait3A_16 = tpu.memref_slice %arg6[%add3A, %dma_wait3A_15] : memref<32x512xf32, #tpu.memory_space<hbm>> -> memref<1x512xf32, #tpu.memory_space<hbm>>
      %dma_wait3A_17 = tpu.memref_squeeze %dma_wait3A_16 : memref<1x512xf32, #tpu.memory_space<hbm>> -> memref<512xf32, #tpu.memory_space<hbm>>
      %dma_wait3A_18 = arith.constant 0 : i32
      %dma_wait3A_19 = tpu.memref_slice %arg6[%add3A, %dma_wait3A_18] : memref<32x512xf32, #tpu.memory_space<hbm>> -> memref<1x512xf32, #tpu.memory_space<hbm>>
      %dma_wait3A_20 = tpu.memref_squeeze %dma_wait3A_19 : memref<1x512xf32, #tpu.memory_space<hbm>> -> memref<512xf32, #tpu.memory_space<hbm>>
      tpu.wait_dma2 semaphore(%run_scoped3A : memref<!tpu.dma_semaphore, #tpu.memory_space<semaphore_mem>>) src(%arg11 : memref<512xf32, #tpu.memory_space<vmem>>) dst(%dma_wait3A_20 : memref<512xf32, #tpu.memory_space<hbm>>)
      tpu.yield
    }) : () -> ()
    return
  }
}

</mosaic_0001>

<sc_bundles>
// kernel: kernel.3.cloned.1.call-start
scs
__scs_entry_jumppad:
0x0: {  	(pc) =	sbr.rel $0x88, $3  }
0x1: {  	(tag) =	ssettag $0x0;
	lr =	simm.s32 $0x1  }
0x2: {  	[smem:$0x3F9D] =	sst lr;
	_ =	strace $0xD0000000  }
0x3: {  	_ = 	snop  }
0x4: {  	_ = 	snop  }
0x5: {  	_ = 	snop  }
0x6: {  	_ = 	snop  }
0x7: {  	_ = 	snop  }
__scs_overlays_trampoline_lowered:
0x8: {  	[smem:$0x3FAC] =	sst s0  }
0x9: {  	[smem:$0x3FAD] =	sst s1  }
0xa: {  	[smem:$0x3FAE] =	sst s2  }
0xb: {  	[smem:$0x3FAF] =	sst s3  }
0xc: {  	[smem:$0x3FB0] =	sst s4  }
0xd: {  	[smem:$0x3FB1] =	sst s5  }
0xe: {  	[smem:$0x3FB2] =	sst s6  }
0xf: {  	[smem:$0x3FB3] =	sst s7  }
0x10: {  	[smem:$0x3FB4] =	sst s8  }
0x11: {  	[smem:$0x3FB5] =	sst s9;
	s0 =	simm.s32 @!p0 $0x0  }
0x12: {  	s1 =	sld [smem:$0x3F9B];
	s0 =	simm.s32 @p0 $0x1  }
0x13: {  	[smem:$0x3FB6] =	sst s0;
	s0 =	simm.s32 @!p1 $0x0  }
0x14: {  	s2 =	sld [smem:$0x3F9A];
	s0 =	simm.s32 @p1 $0x1  }
0x15: {  	[smem:$0x3FB7] =	sst s0;
	s0 =	simm.s32 @!p2 $0x0  }
0x16: {  	s3 =	sld [smem:$0x3FDB];
	s0 =	simm.s32 @p2 $0x1  }
0x17: {  	s4 =	simm.s32 $0x1BF5;
	[smem:$0x3FB9] =	sst s0  }
0x18: {  	s0 =	sld [smem:$0x3F9C];
	_ =	swait.ge [sflag:s4], $0x0  }
0x19: {  	s7 =	sld [smem:$0x3F9D]  }
0x1a: {  	s8 =	sadd.s32 $0xFFFFE003, lr  }
0x1b: {  	s9 =	sadd.s32 $0xFFFFFEF7, lr;
	s5 =	simm.s32 $0xFFFFFFFF;
	p2 =	slt.u32 s8, $0xFFFFF086  }
0x1c: {  	p1 =	slt.u32 s9, $0xF7A;
	s5 =	simm.s32 @!p2 $0x0  }
0x1d: {  	s5 =	simm.s32 @p1 $0x1;
	p0 =	seq.s32 s7, s2  }
0x1e: {  	s7 =	smul.u32 @!p0 $0xF7A, s2;
	p2 =	seq.s32 @!p0 s5, $0x0  }
0x1f: {  	s9 =	smul.u32 $0xF7A, s1;
	s8 =	simm.s32 @!p0 $0x1BF5;
	p2 =	por !p2, p0  }
0x20: {  	[sflag:s8] =	ssyncset.s32 @!p0 $0xFFFFF086;
	s6 =	sadd.s32 @!p0 s3, s7;
	s7 =	simm.s32 @!p0 $0x108  }
0x21: {  	s3 =	sadd.s32 s3, s9;
	s6 =	sadd.s32 @!p0 $0x88, s6;
	s7 =	simm.s32 @p2 $0x1082  }
0x22: {  	[simem:s7], [sflag:s8] =	dma.local @!p0 [hbm:s6], $0xF7A  }
0x23: {  	s9 =	sor.u32 $0xD0000000, s2;
	s6 =	simm.s32 $0x108;
	_ =	swait.ge @!p0 [sflag:s8], $0x0  }
0x24: {  	s3 =	sadd.s32 $0x88, s3;
	s6 =	simm.s32 @!p1 $0x1082;
	[sflag:s4] =	ssyncset.s32 $0xFFFFF086  }
0x25: {  	[simem:s6], [sflag:s4] =	dma.local [hbm:s3], $0xF7A  }
0x26: {  	[smem:$0x3F9D] =	sst s1;
	(tag) =	ssettag s2;
	_ =	strace s9  }
0x27: {  	s1 =	sld [smem:$0x3FAD]  }
0x28: {  	s2 =	sld [smem:$0x3FAE]  }
0x29: {  	s4 =	sld [smem:$0x3FB0]  }
0x2a: {  	p0 =	seq.s32 s5, $0x0;
	s5 =	sld [smem:$0x3FB1]  }
0x2b: {  	s6 =	sld [smem:$0x3FB2]  }
0x2c: {  	s7 =	sld [smem:$0x3FB3]  }
0x2d: {  	s3 =	simm.s32 $0x108;
	s8 =	sld [smem:$0x3FB4]  }
0x2e: {  	s3 =	simm.s32 @!p0 $0x1082;
	s9 =	sld [smem:$0x3FB5]  }
0x2f: {  	lr =	sadd.s32 s0, s3;
	s0 =	sld [smem:$0x3FAC]  }
0x30: {  	s3 =	sld [smem:$0x3FAF]  }
0x31: {  	[smem:$0x3FB8] =	sst s10  }
0x32: {  	s10 =	sld [smem:$0x3FB6];
	_ =	sdelay $0x3  }
0x33: {  	p0 =	seq.s32 s10, $0x1;
	s10 =	sld [smem:$0x3FB8];
	_ =	sdelay $0x3  }
0x34: {  	[smem:$0x3FB8] =	sst s10  }
0x35: {  	s10 =	sld [smem:$0x3FB7];
	_ =	sdelay $0x3  }
0x36: {  	p1 =	seq.s32 s10, $0x1;
	s10 =	sld [smem:$0x3FB8];
	_ =	sdelay $0x3  }
0x37: {  	[smem:$0x3FB8] =	sst s10  }
0x38: {  	s10 =	sld [smem:$0x3FB9]  }
0x39: {  	_ = 	snop;
	(pc) =	sbr.ind lr, $3  }
0x3a: {  	_ = 	snop  }
0x3b: {  	_ = 	snop  }
0x3c: {  	p2 =	seq.s32 s10, $0x1;
	s10 =	sld [smem:$0x3FB8]  }
0x3d: {  	_ =	shalt  }
0x3e: {  	_ =	shalt  }
0x3f: {  	_ =	shalt  }
0x40: {  	_ =	shalt  }
0x41: {  	_ =	shalt  }
0x42: {  	_ =	shalt  }
0x43: {  	_ =	shalt  }
0x44: {  	_ =	shalt  }
0x45: {  	_ =	shalt  }
0x46: {  	_ =	shalt  }
0x47: {  	_ =	shalt  }
0x48: {  	_ =	shalt  }
0x49: {  	_ =	shalt  }
0x4a: {  	_ =	shalt  }
0x4b: {  	_ =	shalt  }
0x4c: {  	_ =	shalt  }
0x4d: {  	_ =	shalt  }
0x4e: {  	_ =	shalt  }
0x4f: {  	_ =	shalt  }
0x50: {  	_ =	shalt  }
0x51: {  	_ =	shalt  }
0x52: {  	_ =	shalt  }
0x53: {  	_ =	shalt  }
0x54: {  	_ =	shalt  }
0x55: {  	_ =	shalt  }
0x56: {  	_ =	shalt  }
0x57: {  	_ =	shalt  }
0x58: {  	_ =	shalt  }
0x59: {  	_ =	shalt  }
0x5a: {  	_ =	shalt  }
0x5b: {  	_ =	shalt  }
0x5c: {  	_ =	shalt  }
0x5d: {  	_ =	shalt  }
0x5e: {  	_ =	shalt  }
0x5f: {  	_ =	shalt  }
0x60: {  	_ =	shalt  }
0x61: {  	_ =	shalt  }
0x62: {  	_ =	shalt  }
0x63: {  	_ =	shalt  }
0x64: {  	_ =	shalt  }
0x65: {  	_ =	shalt  }
0x66: {  	_ =	shalt  }
0x67: {  	_ =	shalt  }
0x68: {  	_ =	shalt  }
0x69: {  	_ =	shalt  }
0x6a: {  	_ =	shalt  }
0x6b: {  	_ =	shalt  }
0x6c: {  	_ =	shalt  }
0x6d: {  	_ =	shalt  }
0x6e: {  	_ =	shalt  }
0x6f: {  	_ =	shalt  }
0x70: {  	_ =	shalt  }
0x71: {  	_ =	shalt  }
0x72: {  	_ =	shalt  }
0x73: {  	_ =	shalt  }
0x74: {  	_ =	shalt  }
0x75: {  	_ =	shalt  }
0x76: {  	_ =	shalt  }
0x77: {  	_ =	shalt  }
0x78: {  	_ =	shalt  }
0x79: {  	_ =	shalt  }
0x7a: {  	_ =	shalt  }
0x7b: {  	_ =	shalt  }
0x7c: {  	_ =	shalt  }
0x7d: {  	_ =	shalt  }
0x7e: {  	_ =	shalt  }
0x7f: {  	_ =	shalt  }
0x80: {  	_ =	shalt  }
0x81: {  	_ =	shalt  }
0x82: {  	_ =	shalt  }
0x83: {  	_ =	shalt  }
0x84: {  	_ =	shalt  }
0x85: {  	_ =	shalt  }
0x86: {  	_ =	shalt  }
0x87: {  	_ =	shalt  }
.Lfunc_end0:
.L_simem_size_0:
called_computation_lowered:
.L_overlay_start_0:
0x88: {  	s2 =	sld [smem:$0x3FD9]  }
0x89: {  	s3 =	sld [smem:$0x3FFE];
	_ =	sdelay $0x1  }
0x8a: {  	s1 =	srdreg.scid  }
0x8b: {  	s0 =	sand.u32 $0x1, s1  }
0x8c: {  	s17 =	sshll.u32 s0, $0xA;
	s2 =	sadd.s32 s3, s2  }
0x8d: {  	s2 =	sadd.s32 s2, s17  }
0x8e: {  	[smem:$0x3FC4] =	sst s2  }
0x8f: {  	_ = 	snop  }
0x90: {  	s2 =	sld [smem:$0x3FD0];
	(tm) =	ssettm $0x1  }
0x91: {  	s18 =	sld [smem:$0x3FFB];
	_ =	sdelay $0x3  }
0x92: {  	_ =	strace s18  }
0x93: {  	s3 =	sld [smem:$0x3FFC];
	_ =	sdelay $0x3  }
0x94: {  	_ =	strace s3  }
0x95: {  	s3 =	sld [smem:$0x3FFD];
	_ =	sdelay $0x3  }
0x96: {  	_ =	strace s3  }
0x97: {  	_ =	strace $0x8FFFFFFF  }
0x98: {  	s19 =	sld [smem:$0x3FDB];
	_ =	sdelay $0x1  }
0x99: {  	s4 =	simm.s32 $_scs_section_size  }
0x9a: {  	s5 =	simm.s32 $_size__tile_overlayer_lowered;
	s6 =	simm.s32 $_tile_overlayer_lowered  }
0x9b: {  	s22 =	simm.s32 $0x1BFF;
	s21 =	sshll.u32 s6, $0x1;
	s3 =	sadd.s32 s4, s19  }
0x9c: {  	s7 =	simm.s32 $0x0;
	s20 =	sshll.u32 s5, $0x1;
	s5 =	sadd.s32 s21, s3  }
0x9d: {  	[timem:s7], [sflag:s22] =	dma.local [hbm:s5], s20  }
0x9e: {  	_ =	swait.ge [sflag:s22], s20  }
0x9f: {  	s4 =	ssub.s32 $0x0, s20;
	[sflag:s22] =	ssyncset.done $0x0  }
0xa0: {  	[sflag:s22] =	ssyncadd.s32 s4;
	_ =	sdelay $0x1  }
0xa1: {  	s23 =	simm.s32 $0x1B8B  }
0xa2: {  	_ =	swait.ge [sflag:s23], $0x1  }
0xa3: {  	[sflag:s23] =	ssyncset.done $0x0  }
0xa4: {  	s25 =	simm.s32 $0x1B8E;
	s24 =	sld [smem:$0x3FFE];
	[sflag:s23] =	ssyncadd.s32 $0xFFFFFFFF  }
0xa5: {  	s26 =	simm.s32 $execute0_lowered;
	[smem:$0x3FD2] =	sst s25  }
0xa6: {  	s5 =	sshll.u32 s26, $0x1;
	_ =	strace $0x80000046;
	[dreg:$0x1] =	wrdreg $0xFFFFFFFF  }
0xa7: {  	s28 =	simm.s32 $_size_execute0_lowered;
	s3 =	sadd.s32 s3, s5;
	[dreg:$0x0] =	wrdreg $0x0  }
0xa8: {  	s5 =	sshll.u32 s28, $0x1;
	[dreg:$0x2] =	wrdreg s3  }
0xa9: {  	[dreg:$0x3] =	wrdreg s5  }
0xaa: {  	[dreg:$0x4] =	wrdreg $0xC0  }
0xab: {  	_ =	task [dreg:s7], $0x5FFFF  }
0xac: {  	[dreg:$0x1] =	wrdreg $0xFFFFFFFF  }
0xad: {  	[dreg:$0x0] =	wrdreg $0x60  }
0xae: {  	[dreg:$0x2] =	wrdreg s24  }
0xaf: {  	[dreg:$0x3] =	wrdreg s2  }
0xb0: {  	[dreg:$0x4] =	wrdreg $0x9  }
0xb1: {  	_ =	task.clear_ibuf [dreg:s7], $0x5FFFF;
	_ =	strace $0x90000046  }
0xb2: {  	s29 =	simm.s32 $0x9;
	_ =	strace $0x80000048  }
0xb3: {  	_ =	swait.ge [sflag:s29], $0x1  }
0xb4: {  	[sflag:s29] =	ssyncadd.s32 $0xFFFFFFFF  }
0xb5: {  	_ =	strace $0x90000048  }
0xb6: {  	_ =	sfence  }
0xb7: {  	s30 =	sld [smem:$0x0];
	_ =	sdelay $0x2  }
0xb8: {  	s31 =	sshll.u32 s1, $0xD;
	s1 =	sshrl.u32 s1, $0x2  }
0xb9: {  	s3 =	sand.u32 $0x4000, s31;
	s1 =	sadd.s32 s1, s30  }
0xba: {  	s0 =	sor.u32 s3, s0;
	s1 =	sshll.u32 s1, $0x11  }
0xbb: {  	s0 =	sor.u32 s1, s0  }
0xbc: {  	s0 =	sadd.s32 $0x8F2B, s0  }
0xbd: {  	[sflag:s0] =	ssyncadd.remote.s32 $0x1  }
0xbe: {  	_ =	sfence.sel $0xFFFF  }
0xbf: {  	[dreg:$0x0] =	wrdreg $0xFFFFFFFF;
	(pc) =	sbr.abs _section_cstart, $3  }
0xc0: {  	[dreg:$0x1] =	wrdreg $0xFFFFFFFF  }
0xc1: {  	_ =	task.clear_ibuf [dreg:s7], $0x2FFFF;
	_ =	strace $0x9FFFFFFF  }
0xc2: {  	(tm) =	ssettm $0x7FFFFFFF  }
0xc3: {  	_ =	shalt  }
tec
execute0_lowered:
.L_overlay_start_1:
0x0: {  	(tag) =	ssettag $0x1  }
0x1: {  	s1 =	rddreg [dreg:$0x0]  }
0x2: {  	s2 =	rddreg [dreg:$0x1];
	s3 =	srdreg.scid  }
0x3: {  	s0 =	stileid.u32;
	s4 =	simm.s32 $0x0;
	s11 =	simm.s32 $0x2  }
0x4: {  	s12 =	simm.s32 $0x6800;
	s13 =	simm.s32 $0x8200;
	s14 =	simm.s32 $0x3400  }
0x5: {  	s15 =	simm.s32 $0x1;
	s16 =	simm.s32 $0x8300;
	s17 =	simm.s32 $0x0  }
0x6: {  	s5 =	sand.u32 $0x1, s3;
	s6 =	sshrl.u32 s0, $0x2;
	s3 =	rddreg [dreg:$0x2]  }
0x7: {  	s28 =	sshll.u32 s0, $0x8;
	[smem:$0x7FF] =	sst s4;
	s9 =	smul.u32 $0x1A000, s6  }
0x8: {  	s7 =	sshll.u32 s5, $0x7;
	s8 =	sand.u32 $0x300, s28;
	s29 =	smul.u32 $0xD000, s6  }
0x9: {  	_ =	strace $0x80000047;
	s5 =	ssub.s32 $0x2, s5;
	s7 =	sor.u32 s7, s8  }
0xa: {  	s6 =	sshll.u32 s6, $0xC;
	s31 =	sshrl.u32 s5, $0x1;
	s8 =	sor.u32 s9, s7  }
0xb: {  	s9 =	sor.u32 s29, s7;
	s6 =	sor.u32 s6, s7;
	s8 =	sshrl.u32 s8, $0x3  }
0xc: {  	s9 =	sshrl.u32 s9, $0x3;
	s6 =	sshrl.u32 s6, $0x3;
	s8 =	sadd.s32 s8, s1  }
0xd: {  	s30 =	sadd.s32 s9, s1;
	s10 =	sadd.s32 s6, s1;
	s9 =	ssub.s32 s5, s31  }
0xe: {  	s5 =	sadd.s32 $0x4F600, s8;
	s6 =	sadd.s32 $0x5C600, s30;
	s7 =	sadd.s32 $0x62E00, s10  }
0xf: {  	s8 =	smax.u32 s9, $0x1;
	s9 =	simm.s32 $0x80;
	s10 =	simm.s32 $0x400  }
.LBB2_1:
0x10: {  	[tilespmem:s4], [sflag:$0x2] =	stream.strided.gather [hbm4b:s5+s9], $0x3400, s10, s9, $0x38;
	[tilespmem:$0x8500] =	vst v63  }
0x11: {  	_ =	swait.ge [sflag:s11], $0x3400  }
0x12: {  	[sflag:s11] =	ssyncset.done $0x0  }
0x13: {  	[sflag:s11] =	ssyncadd.s32 $0xFFFFCC00  }
0x14: {  	[tilespmem:s12], [sflag:$0x2] =	stream.strided.gather [hbm4b:s6+s9], $0x1A00, s10, s9, $0x38;
	[tilespmem:$0x8500] =	vst v63  }
0x15: {  	_ =	swait.ge [sflag:s11], $0x1A00  }
0x16: {  	[sflag:s11] =	ssyncset.done $0x0  }
0x17: {  	[sflag:s11] =	ssyncadd.s32 $0xFFFFE600  }
0x18: {  	[tilespmem:s13], [sflag:$0x2] =	stream.linear.gather [hbm4b:s2+s4], $0x100, $0x38;
	[tilespmem:$0x8500] =	vst v63  }
0x19: {  	_ =	swait.ge [sflag:s11], $0x100  }
0x1a: {  	[sflag:s11] =	ssyncset.done $0x0  }
0x1b: {  	[sflag:s11] =	ssyncadd.s32 $0xFFFFFF00  }
0x1c: {  	[tilespmem:s14], [sflag:$0x1] =	stream.indirect.gather [hbm4b:s1+s14], $0x1, s4, s14, $0xb8;
	[tilespmem:$0x8500] =	vst v63  }
0x1d: {  	_ =	swait.ge [sflag:s15], $0x3400  }
0x1e: {  	[sflag:s15] =	ssyncset.done $0x0  }
0x1f: {  	s18 =	sand.u32 $0x1F0, s4;
	[sflag:s15] =	ssyncadd.s32 $0xFFFFCC00  }
0x20: {  	v0 =	vld [tilespmem:s18+$0x3400];
	_ =	sdelay $0x1  }
0x21: {  	v1 =	vld [tilespmem:s18+$0x3600];
	_ =	sdelay $0x1  }
0x22: {  	v2 =	vld [tilespmem:s18+$0x3800]  }
0x23: {  	v0 =	vadd.f32 $0.0e+00, v0  }
0x24: {  	v3 =	vld [tilespmem:s18+$0x3A00]  }
0x25: {  	v0 =	vadd.f32 v1, v0  }
0x26: {  	v8 =	vld [tilespmem:s18+$0x3C00]  }
0x27: {  	v0 =	vadd.f32 v2, v0  }
0x28: {  	v9 =	vld [tilespmem:s18+$0x3E00]  }
0x29: {  	v0 =	vadd.f32 v3, v0  }
0x2a: {  	v10 =	vld [tilespmem:s18+$0x4000]  }
0x2b: {  	v0 =	vadd.f32 v8, v0  }
0x2c: {  	v11 =	vld [tilespmem:s18+$0x4200]  }
0x2d: {  	v0 =	vadd.f32 v9, v0  }
0x2e: {  	v12 =	vld [tilespmem:s18+$0x4400]  }
0x2f: {  	v0 =	vadd.f32 v10, v0  }
0x30: {  	v13 =	vld [tilespmem:s18+$0x4600]  }
0x31: {  	v0 =	vadd.f32 v11, v0  }
0x32: {  	v14 =	vld [tilespmem:s18+$0x4800]  }
0x33: {  	v0 =	vadd.f32 v12, v0  }
0x34: {  	v15 =	vld [tilespmem:s18+$0x4A00]  }
0x35: {  	v0 =	vadd.f32 v13, v0  }
0x36: {  	v16 =	vld [tilespmem:s18+$0x4C00]  }
0x37: {  	v0 =	vadd.f32 v14, v0  }
0x38: {  	v17 =	vld [tilespmem:s18+$0x4E00]  }
0x39: {  	v0 =	vadd.f32 v15, v0  }
0x3a: {  	v18 =	vld [tilespmem:s18+$0x5000]  }
0x3b: {  	v0 =	vadd.f32 v16, v0  }
0x3c: {  	v19 =	vld [tilespmem:s18+$0x5200]  }
0x3d: {  	v0 =	vadd.f32 v17, v0  }
0x3e: {  	v20 =	vld [tilespmem:s18+$0x5400]  }
0x3f: {  	v0 =	vadd.f32 v18, v0  }
0x40: {  	v21 =	vld [tilespmem:s18+$0x5600]  }
0x41: {  	v0 =	vadd.f32 v19, v0  }
0x42: {  	v22 =	vld [tilespmem:s18+$0x5800]  }
0x43: {  	v0 =	vadd.f32 v20, v0  }
0x44: {  	v23 =	vld [tilespmem:s18+$0x5A00]  }
0x45: {  	v0 =	vadd.f32 v21, v0  }
0x46: {  	v24 =	vld [tilespmem:s18+$0x5C00]  }
0x47: {  	v0 =	vadd.f32 v22, v0  }
0x48: {  	v25 =	vld [tilespmem:s18+$0x5E00]  }
0x49: {  	v0 =	vadd.f32 v23, v0  }
0x4a: {  	v26 =	vld [tilespmem:s18+$0x6000]  }
0x4b: {  	v0 =	vadd.f32 v24, v0  }
0x4c: {  	v27 =	vld [tilespmem:s18+$0x6200]  }
0x4d: {  	v28 =	vld [tilespmem:s18+$0x6600];
	v0 =	vadd.f32 v25, v0  }
0x4e: {  	v4 =	vld [tilespmem:s18+$0x6400]  }
0x4f: {  	v29 =	vld [tilespmem:s18+$0x6800];
	v0 =	vadd.f32 v26, v0  }
0x50: {  	v5 =	vld [tilespmem:$0x8200]  }
0x51: {  	v30 =	vld [tilespmem:s18+$0x6A00];
	v0 =	vadd.f32 v27, v0  }
0x52: {  	v6 =	vld [tilespmem:$0x8210]  }
0x53: {  	v31 =	vld [tilespmem:s18+$0x6C00];
	v0 =	vadd.f32 v4, v0  }
0x54: {  	v7 =	vld [tilespmem:$0x8220]  }
0x55: {  	v32 =	vld [tilespmem:s18+$0x6E00];
	v1 =	vmul.f32 v5, v29;
	v0 =	vadd.f32 v28, v0  }
0x56: {  	v33 =	vld [tilespmem:$0x8230]  }
0x57: {  	v35 =	vld [tilespmem:s18+$0x7000];
	v34 =	vmul.f32 v6, v30;
	v0 =	vadd.f32 v1, v0  }
0x58: {  	v36 =	vld [tilespmem:$0x8240]  }
0x59: {  	v38 =	vld [tilespmem:s18+$0x7200];
	v37 =	vmul.f32 v7, v31;
	v0 =	vadd.f32 v34, v0  }
0x5a: {  	v39 =	vld [tilespmem:$0x8250]  }
0x5b: {  	v41 =	vld [tilespmem:s18+$0x7400];
	v40 =	vmul.f32 v33, v32;
	v0 =	vadd.f32 v37, v0  }
0x5c: {  	v42 =	vld [tilespmem:$0x8260]  }
0x5d: {  	v44 =	vld [tilespmem:s18+$0x7600];
	v43 =	vmul.f32 v36, v35;
	v0 =	vadd.f32 v40, v0  }
0x5e: {  	v45 =	vld [tilespmem:$0x8270]  }
0x5f: {  	v47 =	vld [tilespmem:s18+$0x7800];
	v46 =	vmul.f32 v39, v38;
	v0 =	vadd.f32 v43, v0  }
0x60: {  	v48 =	vld [tilespmem:$0x8280]  }
0x61: {  	v50 =	vld [tilespmem:s18+$0x7A00];
	v49 =	vmul.f32 v42, v41;
	v0 =	vadd.f32 v46, v0  }
0x62: {  	v51 =	vld [tilespmem:$0x8290]  }
0x63: {  	v53 =	vld [tilespmem:s18+$0x7C00];
	v52 =	vmul.f32 v45, v44;
	v0 =	vadd.f32 v49, v0  }
0x64: {  	v54 =	vld [tilespmem:$0x82A0]  }
0x65: {  	v56 =	vld [tilespmem:s18+$0x7E00];
	v55 =	vmul.f32 v48, v47;
	v0 =	vadd.f32 v52, v0  }
0x66: {  	v57 =	vld [tilespmem:$0x82B0]  }
0x67: {  	v59 =	vld [tilespmem:s18+$0x8000];
	v58 =	vmul.f32 v51, v50;
	v0 =	vadd.f32 v55, v0  }
0x68: {  	v60 =	vld [tilespmem:$0x82C0]  }
0x69: {  	v61 =	vmul.f32 v54, v53;
	v0 =	vadd.f32 v58, v0;
	_ =	sdelay $0x1  }
0x6a: {  	v62 =	vmul.f32 v57, v56;
	v0 =	vadd.f32 v61, v0;
	_ =	sdelay $0x1  }
0x6b: {  	v63 =	vmul.f32 v60, v59;
	v0 =	vadd.f32 v62, v0;
	_ =	sdelay $0x1  }
0x6c: {  	v0 =	vadd.f32 v63, v0  }
0x6d: {  	s31 =	simm.s32 $0x10  }
0x6e: {  	s20 =	simm.s32 $0x20;
	s19 =	sand.u32 $0x1F0, s31;
	s18 =	simm.s32 $0x8300;
	[tilespmem:s16+$0x0] =	vst v0  }
.LBB2_2:
0x6f: {  	p0 =	sne.s32 s20, $0x1F0;
	v0 =	vld [tilespmem:s19+$0x3400];
	_ =	sdelay $0x1  }
0x70: {  	v1 =	vld [tilespmem:s19+$0x3600];
	_ =	sdelay $0x1  }
0x71: {  	v2 =	vld [tilespmem:s19+$0x3800]  }
0x72: {  	v0 =	vadd.f32 $0.0e+00, v0  }
0x73: {  	v3 =	vld [tilespmem:s19+$0x3A00]  }
0x74: {  	v0 =	vadd.f32 v1, v0  }
0x75: {  	v1 =	vld [tilespmem:s19+$0x3C00]  }
0x76: {  	v0 =	vadd.f32 v2, v0  }
0x77: {  	v2 =	vld [tilespmem:s19+$0x3E00]  }
0x78: {  	v0 =	vadd.f32 v3, v0  }
0x79: {  	v3 =	vld [tilespmem:s19+$0x4000]  }
0x7a: {  	v0 =	vadd.f32 v1, v0  }
0x7b: {  	v1 =	vld [tilespmem:s19+$0x4200]  }
0x7c: {  	v0 =	vadd.f32 v2, v0  }
0x7d: {  	v2 =	vld [tilespmem:s19+$0x4400]  }
0x7e: {  	v0 =	vadd.f32 v3, v0  }
0x7f: {  	v3 =	vld [tilespmem:s19+$0x4600]  }
0x80: {  	v0 =	vadd.f32 v1, v0  }
0x81: {  	v1 =	vld [tilespmem:s19+$0x4800]  }
0x82: {  	v0 =	vadd.f32 v2, v0  }
0x83: {  	v2 =	vld [tilespmem:s19+$0x4A00]  }
0x84: {  	v0 =	vadd.f32 v3, v0  }
0x85: {  	v3 =	vld [tilespmem:s19+$0x4C00]  }
0x86: {  	v0 =	vadd.f32 v1, v0  }
0x87: {  	v1 =	vld [tilespmem:s19+$0x4E00]  }
0x88: {  	v0 =	vadd.f32 v2, v0  }
0x89: {  	v2 =	vld [tilespmem:s19+$0x5000]  }
0x8a: {  	v0 =	vadd.f32 v3, v0  }
0x8b: {  	v3 =	vld [tilespmem:s19+$0x5200]  }
0x8c: {  	v0 =	vadd.f32 v1, v0  }
0x8d: {  	v1 =	vld [tilespmem:s19+$0x5400]  }
0x8e: {  	v0 =	vadd.f32 v2, v0  }
0x8f: {  	v2 =	vld [tilespmem:s19+$0x5600]  }
0x90: {  	v0 =	vadd.f32 v3, v0  }
0x91: {  	v3 =	vld [tilespmem:s19+$0x5800]  }
0x92: {  	v0 =	vadd.f32 v1, v0  }
0x93: {  	v1 =	vld [tilespmem:s19+$0x5A00]  }
0x94: {  	v0 =	vadd.f32 v2, v0  }
0x95: {  	v2 =	vld [tilespmem:s19+$0x5C00]  }
0x96: {  	v0 =	vadd.f32 v3, v0  }
0x97: {  	v3 =	vld [tilespmem:s19+$0x5E00]  }
0x98: {  	v0 =	vadd.f32 v1, v0  }
0x99: {  	v1 =	vld [tilespmem:s19+$0x6000]  }
0x9a: {  	v0 =	vadd.f32 v2, v0  }
0x9b: {  	v2 =	vld [tilespmem:s19+$0x6200]  }
0x9c: {  	v0 =	vadd.f32 v3, v0;
	v3 =	vld [tilespmem:s19+$0x6600]  }
0x9d: {  	v4 =	vld [tilespmem:s19+$0x6400]  }
0x9e: {  	v0 =	vadd.f32 v1, v0;
	v1 =	vld [tilespmem:s19+$0x6800]  }
0x9f: {  	v5 =	vld [tilespmem:$0x8200]  }
0xa0: {  	v0 =	vadd.f32 v2, v0;
	v2 =	vld [tilespmem:s19+$0x6A00]  }
0xa1: {  	v6 =	vld [tilespmem:$0x8210]  }
0xa2: {  	v0 =	vadd.f32 v4, v0;
	v4 =	vld [tilespmem:s19+$0x6C00]  }
0xa3: {  	v7 =	vld [tilespmem:$0x8220]  }
0xa4: {  	v0 =	vadd.f32 v3, v0;
	v1 =	vmul.f32 v5, v1;
	v3 =	vld [tilespmem:s19+$0x6E00]  }
0xa5: {  	v5 =	vld [tilespmem:$0x8230]  }
0xa6: {  	v0 =	vadd.f32 v1, v0;
	v1 =	vmul.f32 v6, v2;
	v2 =	vld [tilespmem:s19+$0x7000]  }
0xa7: {  	v6 =	vld [tilespmem:$0x8240]  }
0xa8: {  	v0 =	vadd.f32 v1, v0;
	v1 =	vmul.f32 v7, v4;
	v4 =	vld [tilespmem:s19+$0x7200]  }
0xa9: {  	v7 =	vld [tilespmem:$0x8250]  }
0xaa: {  	v0 =	vadd.f32 v1, v0;
	v1 =	vmul.f32 v5, v3;
	v3 =	vld [tilespmem:s19+$0x7400]  }
0xab: {  	v5 =	vld [tilespmem:$0x8260]  }
0xac: {  	v0 =	vadd.f32 v1, v0;
	v1 =	vmul.f32 v6, v2;
	v2 =	vld [tilespmem:s19+$0x7600]  }
0xad: {  	v6 =	vld [tilespmem:$0x8270]  }
0xae: {  	v0 =	vadd.f32 v1, v0;
	v1 =	vmul.f32 v7, v4;
	v4 =	vld [tilespmem:s19+$0x7800]  }
0xaf: {  	v7 =	vld [tilespmem:$0x8280]  }
0xb0: {  	v0 =	vadd.f32 v1, v0;
	v1 =	vmul.f32 v5, v3;
	v3 =	vld [tilespmem:s19+$0x7A00]  }
0xb1: {  	v5 =	vld [tilespmem:$0x8290]  }
0xb2: {  	v0 =	vadd.f32 v1, v0;
	v1 =	vmul.f32 v6, v2;
	v2 =	vld [tilespmem:s19+$0x7C00]  }
0xb3: {  	v6 =	vld [tilespmem:$0x82A0]  }
0xb4: {  	v0 =	vadd.f32 v1, v0;
	v1 =	vmul.f32 v7, v4;
	v4 =	vld [tilespmem:s19+$0x7E00]  }
0xb5: {  	v7 =	vld [tilespmem:$0x82B0]  }
0xb6: {  	v0 =	vadd.f32 v1, v0;
	v1 =	vmul.f32 v5, v3;
	v3 =	vld [tilespmem:s19+$0x8000]  }
0xb7: {  	v5 =	vld [tilespmem:$0x82C0]  }
0xb8: {  	v0 =	vadd.f32 v1, v0;
	v1 =	vmul.f32 v6, v2;
	_ =	sdelay $0x1  }
0xb9: {  	v0 =	vadd.f32 v1, v0;
	v1 =	vmul.f32 v7, v4;
	_ =	sdelay $0x1  }
.Ltmp0:
0xba: {  	v0 =	vadd.f32 v1, v0;
	v1 =	vmul.f32 v5, v3;
	(pc) =	sbr.rel @p0 .LBB2_2-.Ltmp0, $4  }
0xbb: {  	_ = 	snop  }
0xbc: {  	v0 =	vadd.f32 v1, v0  }
0xbd: {  	s18 =	sadd.s32 $0x10, s18  }
0xbe: {  	s19 =	sand.u32 $0x1F0, s20;
	s20 =	sadd.s32 $0x10, s20;
	[tilespmem:s18+$0x0] =	vst v0  }
0xbf: {  	v0 =	vld [tilespmem:s19+$0x3400];
	_ =	sdelay $0x1  }
0xc0: {  	v1 =	vld [tilespmem:s19+$0x3600];
	_ =	sdelay $0x1  }
0xc1: {  	v2 =	vld [tilespmem:s19+$0x3800]  }
0xc2: {  	v0 =	vadd.f32 $0.0e+00, v0  }
0xc3: {  	v3 =	vld [tilespmem:s19+$0x3A00]  }
0xc4: {  	v0 =	vadd.f32 v1, v0  }
0xc5: {  	v8 =	vld [tilespmem:s19+$0x3C00]  }
0xc6: {  	v0 =	vadd.f32 v2, v0  }
0xc7: {  	v9 =	vld [tilespmem:s19+$0x3E00]  }
0xc8: {  	v0 =	vadd.f32 v3, v0  }
0xc9: {  	v10 =	vld [tilespmem:s19+$0x4000]  }
0xca: {  	v0 =	vadd.f32 v8, v0  }
0xcb: {  	v11 =	vld [tilespmem:s19+$0x4200]  }
0xcc: {  	v0 =	vadd.f32 v9, v0  }
0xcd: {  	v12 =	vld [tilespmem:s19+$0x4400]  }
0xce: {  	v0 =	vadd.f32 v10, v0  }
0xcf: {  	v13 =	vld [tilespmem:s19+$0x4600]  }
0xd0: {  	v0 =	vadd.f32 v11, v0  }
0xd1: {  	v14 =	vld [tilespmem:s19+$0x4800]  }
0xd2: {  	v0 =	vadd.f32 v12, v0  }
0xd3: {  	v15 =	vld [tilespmem:s19+$0x4A00]  }
0xd4: {  	v0 =	vadd.f32 v13, v0  }
0xd5: {  	v16 =	vld [tilespmem:s19+$0x4C00]  }
0xd6: {  	v0 =	vadd.f32 v14, v0  }
0xd7: {  	v17 =	vld [tilespmem:s19+$0x4E00]  }
0xd8: {  	v0 =	vadd.f32 v15, v0  }
0xd9: {  	v18 =	vld [tilespmem:s19+$0x5000]  }
0xda: {  	v0 =	vadd.f32 v16, v0  }
0xdb: {  	v19 =	vld [tilespmem:s19+$0x5200]  }
0xdc: {  	v0 =	vadd.f32 v17, v0  }
0xdd: {  	v20 =	vld [tilespmem:s19+$0x5400]  }
0xde: {  	v0 =	vadd.f32 v18, v0  }
0xdf: {  	v21 =	vld [tilespmem:s19+$0x5600]  }
0xe0: {  	v0 =	vadd.f32 v19, v0  }
0xe1: {  	v22 =	vld [tilespmem:s19+$0x5800]  }
0xe2: {  	v0 =	vadd.f32 v20, v0  }
0xe3: {  	v23 =	vld [tilespmem:s19+$0x5A00]  }
0xe4: {  	v0 =	vadd.f32 v21, v0  }
0xe5: {  	v24 =	vld [tilespmem:s19+$0x5C00]  }
0xe6: {  	v0 =	vadd.f32 v22, v0  }
0xe7: {  	v25 =	vld [tilespmem:s19+$0x5E00]  }
0xe8: {  	v0 =	vadd.f32 v23, v0  }
0xe9: {  	v26 =	vld [tilespmem:s19+$0x6000]  }
0xea: {  	v0 =	vadd.f32 v24, v0  }
0xeb: {  	v27 =	vld [tilespmem:s19+$0x6200]  }
0xec: {  	v28 =	vld [tilespmem:s19+$0x6600];
	v0 =	vadd.f32 v25, v0  }
0xed: {  	v4 =	vld [tilespmem:s19+$0x6400]  }
0xee: {  	v29 =	vld [tilespmem:s19+$0x6800];
	v0 =	vadd.f32 v26, v0  }
0xef: {  	v5 =	vld [tilespmem:$0x8200]  }
0xf0: {  	v30 =	vld [tilespmem:s19+$0x6A00];
	v0 =	vadd.f32 v27, v0  }
0xf1: {  	v6 =	vld [tilespmem:$0x8210]  }
0xf2: {  	v31 =	vld [tilespmem:s19+$0x6C00];
	v0 =	vadd.f32 v4, v0  }
0xf3: {  	v7 =	vld [tilespmem:$0x8220]  }
0xf4: {  	v32 =	vld [tilespmem:s19+$0x6E00];
	v1 =	vmul.f32 v5, v29;
	v0 =	vadd.f32 v28, v0  }
0xf5: {  	v33 =	vld [tilespmem:$0x8230]  }
0xf6: {  	v35 =	vld [tilespmem:s19+$0x7000];
	v34 =	vmul.f32 v6, v30;
	v0 =	vadd.f32 v1, v0  }
0xf7: {  	v36 =	vld [tilespmem:$0x8240]  }
0xf8: {  	v38 =	vld [tilespmem:s19+$0x7200];
	v37 =	vmul.f32 v7, v31;
	v0 =	vadd.f32 v34, v0  }
0xf9: {  	v39 =	vld [tilespmem:$0x8250]  }
0xfa: {  	v41 =	vld [tilespmem:s19+$0x7400];
	v40 =	vmul.f32 v33, v32;
	v0 =	vadd.f32 v37, v0  }
0xfb: {  	v42 =	vld [tilespmem:$0x8260]  }
0xfc: {  	v44 =	vld [tilespmem:s19+$0x7600];
	v43 =	vmul.f32 v36, v35;
	v0 =	vadd.f32 v40, v0  }
0xfd: {  	v45 =	vld [tilespmem:$0x8270]  }
0xfe: {  	v47 =	vld [tilespmem:s19+$0x7800];
	v46 =	vmul.f32 v39, v38;
	v0 =	vadd.f32 v43, v0  }
0xff: {  	v48 =	vld [tilespmem:$0x8280]  }
0x100: {  	v50 =	vld [tilespmem:s19+$0x7A00];
	v49 =	vmul.f32 v42, v41;
	v0 =	vadd.f32 v46, v0  }
0x101: {  	v51 =	vld [tilespmem:$0x8290]  }
0x102: {  	v53 =	vld [tilespmem:s19+$0x7C00];
	v52 =	vmul.f32 v45, v44;
	v0 =	vadd.f32 v49, v0  }
0x103: {  	v54 =	vld [tilespmem:$0x82A0]  }
0x104: {  	v56 =	vld [tilespmem:s19+$0x7E00];
	v55 =	vmul.f32 v48, v47;
	v0 =	vadd.f32 v52, v0  }
0x105: {  	v57 =	vld [tilespmem:$0x82B0]  }
0x106: {  	v59 =	vld [tilespmem:s19+$0x8000];
	v58 =	vmul.f32 v51, v50;
	v0 =	vadd.f32 v55, v0  }
0x107: {  	v60 =	vld [tilespmem:$0x82C0]  }
0x108: {  	v61 =	vmul.f32 v54, v53;
	v0 =	vadd.f32 v58, v0;
	_ =	sdelay $0x1  }
0x109: {  	v62 =	vmul.f32 v57, v56;
	v0 =	vadd.f32 v61, v0;
	_ =	sdelay $0x1  }
0x10a: {  	v63 =	vmul.f32 v60, v59;
	v0 =	vadd.f32 v62, v0;
	_ =	sdelay $0x1  }
0x10b: {  	s17 =	sadd.s32 $0x1, s17;
	v0 =	vadd.f32 v63, v0  }
0x10c: {  	s18 =	sadd.s32 $0x10, s18;
	p0 =	sne.s32 s17, s8  }
.Ltmp1:
0x10d: {  	[tilespmem:s18+$0x0] =	vst v0;
	(pc) =	sbr.rel @p0 .LBB2_1-.Ltmp1, $4  }
0x10e: {  	[hbm4b:s7+s9] =	stream.strided.scatter [tilespmem:s16], [sflag:$0x2], $0x200, s10, s9, $0x38;
	[tilespmem:$0x8500] =	vst v63  }
0x10f: {  	_ =	swait.ge [sflag:s11], $0x200  }
0x110: {  	[sflag:s11] =	ssyncset.done $0x0  }
0x111: {  	[sflag:s11] =	ssyncadd.s32 $0xFFFFFE00  }
0x112: {  	_ =	sfence.sel $0x180000  }
0x113: {  	[bflag:$0x0] =	sbarrier.arrive $0xFFFF  }
0x114: {  	p0 =	sne.s32 s0, $0x0;
	_ =	strace $0x90000047  }
0x115: {  	s0 =	sadd.s32 @!p0 $0x100000, s3;
	[bflag:$0x2] =	sbarrier.arrive $0xFFFF  }
0x116: {  	[sflag:s0] =	ssyncadd.tile.s32 @!p0 $0x1;
	_ =	shalt  }
.Lfunc_end2:
_tile_overlayer_lowered:
.L_overlay_start_2:
0x117: {  	(tag) =	ssettag $0x2  }
0x118: {  	s0 =	rddreg [dreg:$0x0];
	s2 =	stileid.u32  }
0x119: {  	s1 =	rddreg [dreg:$0x1];
	p0 =	sne.s32 s2, $0x0  }
0x11a: {  	s3 =	rddreg [dreg:$0x2];
	[bflag:$0x3] =	sbarrier.arrive $0xFFFF;
	s2 =	simm.s32 @!p0 $0x1C02  }
0x11b: {  	[timem:s3], [sflag:s2] =	dma.local @!p0 [hbm:s0], s1  }
0x11c: {  	s0 =	simm.s32 @!p0 $0x2  }
0x11d: {  	_ =	swait.ge @!p0 [sflag:s0], s1  }
0x11e: {  	s1 =	ssub.s32 @!p0 $0x0, s1;
	[sflag:s0] =	ssyncset.done @!p0 $0x0  }
0x11f: {  	[sflag:s0] =	ssyncadd.s32 @!p0 s1  }
0x120: {  	[bflag:$0x3] =	sbarrier.arrive $0xFFFF  }
0x121: {  	_ =	shalt  }

</sc_bundles>
